<compile_context>
chip_gen: v7x
topology: tpu7x:2x2x1
jax: 0.10.2.dev20260603
libtpu: 0.0.44.dev20260713+nightly
codegen_flags: <defaults>
</compile_context>

<pallas_src>
import functools

import jax
import jax.numpy as jnp
from jax import lax
from jax.experimental import pallas as pl
from jax.experimental.pallas import tpu as pltpu
from jax.experimental.pallas import tpu_sc as plsc

N_TOK = 8192
DIM_IN = 768
DIM_H = 32
MEM_SIZE = 8192
MEM_RATE = 0.5

BLK = 512
CHUNK = 2048
NBLK = N_TOK // BLK


def _sc_geometry():
    try:
        info = plsc.get_sparse_core_info()
        return info.num_cores, info.num_subcores
    except Exception:
        return 2, 16



def _proj_body(z_ref, w_ref, b_ref, out_ref):
    out_ref[...] = (
        lax.dot_general(z_ref[...], w_ref[...], (((1,), (0,)), ((), ())))
        + b_ref[...]
    )


def _argmin_body(proj_ref, mem_ref, psum_ref, msum_ref, idx_ref):
    proj = proj_ref[...]
    prow = psum_ref[...]
    rowid = lax.broadcasted_iota(jnp.int32, (CHUNK, BLK), 0).astype(jnp.float32)

    def body(j, carry):
        minval, minidx = carry
        mem = mem_ref[pl.ds(j * CHUNK, CHUNK), :] * -2.0
        mcol = msum_ref[pl.ds(j * CHUNK, CHUNK), :]
        cross = lax.dot_general(mem, proj, (((1,), (1,)), ((), ())))
        d2 = (prow + mcol) + cross
        dist = jnp.where(d2 > 0.0, d2 * lax.rsqrt(d2), 0.0)
        cmin = jnp.min(dist, axis=0, keepdims=True)
        cidx = jnp.min(
            jnp.where(dist == cmin, rowid, jnp.float32(2**24)),
            axis=0, keepdims=True,
        ).astype(jnp.int32) + j * CHUNK
        take = cmin < minval
        newval = jnp.where(take, cmin, minval)
        newval = newval.astype(jnp.bfloat16).astype(jnp.float32)
        return (newval, jnp.where(take, cidx, minidx))

    init = (
        jnp.full((1, BLK), jnp.inf, jnp.float32),
        jnp.zeros((1, BLK), jnp.int32),
    )
    _, minidx = lax.fori_loop(0, MEM_SIZE // CHUNK, body, init)
    idx_ref[...] = minidx.reshape(1, 1, BLK)


def _update_body(proj_ref, closest_ref, w_ref, b_ref, out_ref):
    diff = proj_ref[...] - closest_ref[...]
    out_ref[...] = (
        lax.dot_general(diff, w_ref[...], (((1,), (0,)), ((), ())))
        + b_ref[...]
    ) * MEM_RATE


def _tc_proj(z, w, b2):
    return pl.pallas_call(
        _proj_body,
        grid=(NBLK,),
        in_specs=[
            pl.BlockSpec((BLK, DIM_IN), lambda i: (i, 0)),
            pl.BlockSpec((DIM_IN, DIM_H), lambda i: (0, 0)),
            pl.BlockSpec((1, DIM_H), lambda i: (0, 0)),
        ],
        out_specs=pl.BlockSpec((BLK, DIM_H), lambda i: (i, 0)),
        out_shape=jax.ShapeDtypeStruct((N_TOK, DIM_H), jnp.float32),
    )(z, w, b2)


def _tc_argmin(proj, memory, psum_row, msum_col):
    n_tok = proj.shape[0]
    nblk = n_tok // BLK
    idx3 = pl.pallas_call(
        _argmin_body,
        grid=(nblk,),
        in_specs=[
            pl.BlockSpec((BLK, DIM_H), lambda i: (i, 0)),
            pl.BlockSpec((MEM_SIZE, DIM_H), lambda i: (0, 0)),
            pl.BlockSpec((1, BLK), lambda i: (0, i)),
            pl.BlockSpec((MEM_SIZE, 1), lambda i: (0, 0)),
        ],
        out_specs=pl.BlockSpec((1, 1, BLK), lambda i: (i, 0, 0)),
        out_shape=jax.ShapeDtypeStruct((nblk, 1, BLK), jnp.int32),
    )(proj, memory, psum_row, msum_col)
    return idx3.reshape(n_tok)


def _tc_update(proj, closest, w_upd, b2):
    return pl.pallas_call(
        _update_body,
        grid=(proj.shape[0] // BLK,),
        in_specs=[
            pl.BlockSpec((BLK, DIM_H), lambda i: (i, 0)),
            pl.BlockSpec((BLK, DIM_H), lambda i: (i, 0)),
            pl.BlockSpec((DIM_H, DIM_H), lambda i: (0, 0)),
            pl.BlockSpec((1, DIM_H), lambda i: (0, 0)),
        ],
        out_specs=pl.BlockSpec((BLK, DIM_H), lambda i: (i, 0)),
        out_shape=jax.ShapeDtypeStruct((proj.shape[0], DIM_H), jnp.float32),
    )(proj, closest, w_upd, b2)



def _sc_gather(memory, idx):
    nc, ns = _sc_geometry()
    nw = nc * ns
    n_tok = idx.shape[0]
    bpw = n_tok // nw
    mesh = plsc.VectorSubcoreMesh(core_axis_name="c", subcore_axis_name="s")

    @functools.partial(
        pl.kernel,
        mesh=mesh,
        out_type=jax.ShapeDtypeStruct((n_tok, DIM_H), jnp.float32),
        scratch_types=[
            pltpu.VMEM((bpw,), jnp.int32),
            pltpu.VMEM((bpw, DIM_H), jnp.float32),
            pltpu.SemaphoreType.DMA,
        ],
        compiler_params=pltpu.CompilerParams(use_tc_tiling_on_sc=False),
    )
    def k(table_hbm, idx_hbm, out_hbm, idx_v, rows_v, sem):
        wid = lax.axis_index("s") * nc + lax.axis_index("c")
        base = wid * bpw
        pltpu.sync_copy(idx_hbm.at[pl.ds(base, bpw)], idx_v)
        pltpu.async_copy(table_hbm.at[idx_v], rows_v, sem).wait()
        pltpu.sync_copy(rows_v, out_hbm.at[pl.ds(base, bpw)])

    return k(memory, idx)


def _sc_scatter_add(memory, idx, upd):
    nc, ns = _sc_geometry()
    tok_pw = N_TOK // ns
    rows_init = MEM_SIZE // ns
    rows_out = MEM_SIZE // (nc * ns)
    mesh = plsc.VectorSubcoreMesh(core_axis_name="c", subcore_axis_name="s")

    @functools.partial(
        pl.kernel,
        mesh=mesh,
        out_type=jax.ShapeDtypeStruct((MEM_SIZE, DIM_H), jnp.float32),
        scratch_types=[
            pltpu.VMEM((tok_pw,), jnp.int32),
            pltpu.VMEM((tok_pw, DIM_H), jnp.float32),
            pltpu.VMEM_SHARED((MEM_SIZE, DIM_H), jnp.float32),
        ],
        compiler_params=pltpu.CompilerParams(use_tc_tiling_on_sc=False),
    )
    def k(mem_hbm, idx_hbm, upd_hbm, out_hbm, idx_v, upd_v, shared):
        cid = lax.axis_index("c")
        sid = lax.axis_index("s")
        pltpu.sync_copy(
            mem_hbm.at[pl.ds(sid * rows_init, rows_init)],
            shared.at[pl.ds(sid * rows_init, rows_init)],
        )
        plsc.subcore_barrier()
        base = sid * tok_pw
        pltpu.sync_copy(idx_hbm.at[pl.ds(base, tok_pw)], idx_v)
        pltpu.sync_copy(upd_hbm.at[pl.ds(base, tok_pw)], upd_v)
        pltpu.sync_copy(upd_v, shared.at[idx_v], add=True)
        plsc.subcore_barrier()
        wbase = cid * (MEM_SIZE // nc) + sid * rows_out
        pltpu.sync_copy(
            shared.at[pl.ds(wbase, rows_out)],
            out_hbm.at[pl.ds(wbase, rows_out)],
        )

    return k(memory, idx, upd)



def kernel(visual_embeddings, memory, W_proj, b_proj, W_upd, b_upd):
    b_proj2 = b_proj.reshape(1, DIM_H)
    b_upd2 = b_upd.reshape(1, DIM_H)

    proj = _tc_proj(visual_embeddings, W_proj, b_proj2)
    psum_row = jnp.sum(proj * proj, axis=1)[None, :]
    msum_col = jnp.sum(memory * memory, axis=1)[:, None]

    idx = _tc_argmin(proj, memory, psum_row, msum_col)
    closest = _sc_gather(memory, idx)
    upd = _tc_update(proj, closest, W_upd, b_upd2)
    updated = _sc_scatter_add(memory, idx, upd)
    return closest, updated

# --- scband reference (transcript-rebuilt; emitter-appended) ---
"""Pipeline reference for scband-feature-memory-mapping-module-50173807951909 (READ-ONLY COPY).

The authoritative reference and input builder live on the scoring server;
editing this copy changes nothing except your own understanding.
"""

import jax, jax.numpy as jnp
import numpy as np

MEM_RATE = 0.5
N_TOK = 8192
DIM_IN = 768
DIM_H = 32
MEM_SIZE = 8192


def setup_inputs(seed: int = 0) -> dict:
    key = jax.random.key(seed)
    k1, k2, k3, k4 = jax.random.split(key, 4)
    visual_embeddings = jax.random.normal(k1, (N_TOK, DIM_IN), dtype=jnp.float32)
    memory = jax.random.normal(k2, (MEM_SIZE, DIM_H), dtype=jnp.float32)
    W_proj = jax.random.normal(k3, (DIM_IN, DIM_H), dtype=jnp.float32) * 0.02
    b_proj = jnp.zeros((DIM_H,), dtype=jnp.float32)
    W_upd = jax.random.normal(k4, (DIM_H, DIM_H), dtype=jnp.float32) * 0.1
    b_upd = jnp.zeros((DIM_H,), dtype=jnp.float32)
    return {
        "visual_embeddings": visual_embeddings,
        "memory": memory,
        "W_proj": W_proj,
        "b_proj": b_proj,
        "W_upd": W_upd,
        "b_upd": b_upd,
    }


def reference(visual_embeddings, memory, W_proj, b_proj, W_upd, b_upd):
    # projection = nn.Linear(dim_in, dim_hidden)
    proj = visual_embeddings @ W_proj + b_proj
    # torch.cdist (p=2 euclidean) via expanded squared distances
    d2 = (
        jnp.sum(proj * proj, axis=1, keepdims=True)
        + jnp.sum(memory * memory, axis=1)[None, :]
        - 2.0 * (proj @ memory.T)
    )
    dist = jnp.sqrt(jnp.clip(d2, 0.0, None))
    closest_indices = jnp.argmin(dist, axis=1)
    closest_memory_elements = jnp.take(memory, closest_indices, axis=0)
    memory_update = (proj - closest_memory_elements) @ W_upd + b_upd
    # The torch per-row loop does: m[idx] = (1-r)*m[idx] + r*(m[idx] + u_i) == m[idx] + r*u_i,
    # applied sequentially; repeated hits accumulate additively -> exact scatter-add.
    updated_memory = memory.at[closest_indices].add(MEM_RATE * memory_update)
    # torch forward returns only closest_memory_elements; updated_memory models the
    # self.memory.data side-effect and is returned as a second output here.
    return closest_memory_elements, updated_memory

if __name__ == "__main__":
    import jax
    _d = setup_inputs()
    print(jax.jit(kernel)(*tuple(_d.values())))

</pallas_src>

<mosaic_0001>
#map = affine_map<(d0, d1) -> (0, 0)>
#map1 = affine_map<(d0, d1) -> (0)>
module attributes {stable_mosaic.version = 14 : i64} {
  func.func @k(%arg0: i32, %arg1: i32, %arg2: memref<8192x32xf32, #tpu.memory_space<hbm>>, %arg3: memref<8192xi32, #tpu.memory_space<hbm>>, %arg4: memref<8192x32xf32, #tpu.memory_space<hbm>>, %arg5: memref<256xi32, #tpu.memory_space<vmem>>, %arg6: memref<256x32xf32, #tpu.memory_space<vmem>>, %arg7: memref<!tpu.dma_semaphore, #tpu.memory_space<semaphore_mem>>) attributes {dimension_semantics = [#tpu.dimension_semantics<core_parallel>, #tpu.dimension_semantics<subcore_parallel>], iteration_bounds = array<i64: 2, 16>, scalar_prefetch = 0 : i64, scratch_operands = 3 : i64, tpu.core_type = #tpu.core_type<sc_vector_subcore>, window_params = [{transform_indices = #map}, {transform_indices = #map1}, {transform_indices = #map}]} {
    %mul3A = arith.constant 2 : i32
    %mul3A_0 = arith.muli %arg1, %mul3A : i32
    %add3A = arith.addi %mul3A_0, %arg0 : i32
    %mul3A_1 = arith.constant 256 : i32
    %mul3A_2 = arith.muli %add3A, %mul3A_1 : i32
    "tpu.region"() ({
      %run_scoped3A = tpu.sem_alloc : memref<!tpu.dma_semaphore, #tpu.memory_space<semaphore_mem>>
      %dma_start3A_7 = tpu.memref_slice %arg3[%mul3A_2] : memref<8192xi32, #tpu.memory_space<hbm>> -> memref<256xi32, #tpu.memory_space<hbm>>
      %dma_start3A_8 = tpu.memref_slice %arg3[%mul3A_2] : memref<8192xi32, #tpu.memory_space<hbm>> -> memref<256xi32, #tpu.memory_space<hbm>>
      tpu.enqueue_dma source(%dma_start3A_8 : memref<256xi32, #tpu.memory_space<hbm>>) target(%arg5 : memref<256xi32, #tpu.memory_space<vmem>>) target_semaphore(%run_scoped3A : memref<!tpu.dma_semaphore, #tpu.memory_space<semaphore_mem>>)
      %dma_wait3A_9 = tpu.memref_slice %arg3[%mul3A_2] : memref<8192xi32, #tpu.memory_space<hbm>> -> memref<256xi32, #tpu.memory_space<hbm>>
      %dma_wait3A_10 = tpu.memref_slice %arg3[%mul3A_2] : memref<8192xi32, #tpu.memory_space<hbm>> -> memref<256xi32, #tpu.memory_space<hbm>>
      tpu.wait_dma2 semaphore(%run_scoped3A : memref<!tpu.dma_semaphore, #tpu.memory_space<semaphore_mem>>) src(%dma_wait3A_10 : memref<256xi32, #tpu.memory_space<hbm>>) dst(%arg5 : memref<256xi32, #tpu.memory_space<vmem>>)
      tpu.yield
    }) : () -> ()
    %dma_start3A = arith.constant 0 : i32
    %dma_start3A_3 = arith.constant 0 : i32
    %dma_start3A_4 = tpu.memref_slice %arg2[%dma_start3A, %dma_start3A_3] : memref<8192x32xf32, #tpu.memory_space<hbm>> -> memref<8192x32xf32, #tpu.memory_space<hbm>>
    tpu.enqueue_indirect_dma source(%dma_start3A_4 : memref<8192x32xf32, #tpu.memory_space<hbm>>) target(%arg6 : memref<256x32xf32, #tpu.memory_space<vmem>>) offsets(%arg5 : memref<256xi32, #tpu.memory_space<vmem>>) semaphore(%arg7 : memref<!tpu.dma_semaphore, #tpu.memory_space<semaphore_mem>>)
    %dma_wait3A = arith.constant 0 : i32
    %dma_wait3A_5 = arith.constant 0 : i32
    %dma_wait3A_6 = tpu.memref_slice %arg2[%dma_wait3A, %dma_wait3A_5] : memref<8192x32xf32, #tpu.memory_space<hbm>> -> memref<8192x32xf32, #tpu.memory_space<hbm>>
    tpu.wait_indirect_dma semaphore(%arg7 : memref<!tpu.dma_semaphore, #tpu.memory_space<semaphore_mem>>) src(%dma_wait3A_6 : memref<8192x32xf32, #tpu.memory_space<hbm>>) dst(%arg6 : memref<256x32xf32, #tpu.memory_space<vmem>>)
    "tpu.region"() ({
      %run_scoped3A = tpu.sem_alloc : memref<!tpu.dma_semaphore, #tpu.memory_space<semaphore_mem>>
      %dma_start3A_7 = arith.constant 0 : i32
      %dma_start3A_8 = tpu.memref_slice %arg4[%mul3A_2, %dma_start3A_7] : memref<8192x32xf32, #tpu.memory_space<hbm>> -> memref<256x32xf32, #tpu.memory_space<hbm>>
      %dma_start3A_9 = arith.constant 0 : i32
      %dma_start3A_10 = tpu.memref_slice %arg4[%mul3A_2, %dma_start3A_9] : memref<8192x32xf32, #tpu.memory_space<hbm>> -> memref<256x32xf32, #tpu.memory_space<hbm>>
      tpu.enqueue_dma source(%arg6 : memref<256x32xf32, #tpu.memory_space<vmem>>) target(%dma_start3A_10 : memref<256x32xf32, #tpu.memory_space<hbm>>) target_semaphore(%run_scoped3A : memref<!tpu.dma_semaphore, #tpu.memory_space<semaphore_mem>>)
      %dma_wait3A_11 = arith.constant 0 : i32
      %dma_wait3A_12 = tpu.memref_slice %arg4[%mul3A_2, %dma_wait3A_11] : memref<8192x32xf32, #tpu.memory_space<hbm>> -> memref<256x32xf32, #tpu.memory_space<hbm>>
      %dma_wait3A_13 = arith.constant 0 : i32
      %dma_wait3A_14 = tpu.memref_slice %arg4[%mul3A_2, %dma_wait3A_13] : memref<8192x32xf32, #tpu.memory_space<hbm>> -> memref<256x32xf32, #tpu.memory_space<hbm>>
      tpu.wait_dma2 semaphore(%run_scoped3A : memref<!tpu.dma_semaphore, #tpu.memory_space<semaphore_mem>>) src(%arg6 : memref<256x32xf32, #tpu.memory_space<vmem>>) dst(%dma_wait3A_14 : memref<256x32xf32, #tpu.memory_space<hbm>>)
      tpu.yield
    }) : () -> ()
    return
  }
}

#map = affine_map<(d0, d1) -> (0, 0)>
#map1 = affine_map<(d0, d1) -> (0)>
module attributes {stable_mosaic.version = 14 : i64} {
  func.func @k(%arg0: i32, %arg1: i32, %arg2: memref<8192x32xf32, #tpu.memory_space<hbm>>, %arg3: memref<8192xi32, #tpu.memory_space<hbm>>, %arg4: memref<8192x32xf32, #tpu.memory_space<hbm>>, %arg5: memref<8192x32xf32, #tpu.memory_space<hbm>>, %arg6: memref<512xi32, #tpu.memory_space<vmem>>, %arg7: memref<512x32xf32, #tpu.memory_space<vmem>>, %arg8: memref<8192x32xf32, #tpu.memory_space<vmem_shared>>) attributes {dimension_semantics = [#tpu.dimension_semantics<core_parallel>, #tpu.dimension_semantics<subcore_parallel>], iteration_bounds = array<i64: 2, 16>, scalar_prefetch = 0 : i64, scratch_operands = 3 : i64, tpu.core_type = #tpu.core_type<sc_vector_subcore>, window_params = [{transform_indices = #map}, {transform_indices = #map1}, {transform_indices = #map}, {transform_indices = #map}]} {
    %mul3A = arith.constant 512 : i32
    %mul3A_0 = arith.muli %arg1, %mul3A : i32
    %mul3A_1 = arith.constant 512 : i32
    %mul3A_2 = arith.muli %arg1, %mul3A_1 : i32
    "tpu.region"() ({
      %run_scoped3A = tpu.sem_alloc : memref<!tpu.dma_semaphore, #tpu.memory_space<semaphore_mem>>
      %dma_start3A = arith.constant 0 : i32
      %dma_start3A_10 = tpu.memref_slice %arg8[%mul3A_2, %dma_start3A] : memref<8192x32xf32, #tpu.memory_space<vmem_shared>> -> memref<512x32xf32, #tpu.memory_space<vmem_shared>>
      %dma_start3A_11 = arith.constant 0 : i32
      %dma_start3A_12 = tpu.memref_slice %arg2[%mul3A_0, %dma_start3A_11] : memref<8192x32xf32, #tpu.memory_space<hbm>> -> memref<512x32xf32, #tpu.memory_space<hbm>>
      tpu.enqueue_dma source(%dma_start3A_12 : memref<512x32xf32, #tpu.memory_space<hbm>>) target(%dma_start3A_10 : memref<512x32xf32, #tpu.memory_space<vmem_shared>>) target_semaphore(%run_scoped3A : memref<!tpu.dma_semaphore, #tpu.memory_space<semaphore_mem>>)
      %dma_wait3A = arith.constant 0 : i32
      %dma_wait3A_13 = tpu.memref_slice %arg8[%mul3A_2, %dma_wait3A] : memref<8192x32xf32, #tpu.memory_space<vmem_shared>> -> memref<512x32xf32, #tpu.memory_space<vmem_shared>>
      %dma_wait3A_14 = arith.constant 0 : i32
      %dma_wait3A_15 = tpu.memref_slice %arg2[%mul3A_0, %dma_wait3A_14] : memref<8192x32xf32, #tpu.memory_space<hbm>> -> memref<512x32xf32, #tpu.memory_space<hbm>>
      tpu.wait_dma2 semaphore(%run_scoped3A : memref<!tpu.dma_semaphore, #tpu.memory_space<semaphore_mem>>) src(%dma_wait3A_15 : memref<512x32xf32, #tpu.memory_space<hbm>>) dst(%dma_wait3A_13 : memref<512x32xf32, #tpu.memory_space<vmem_shared>>)
      tpu.yield
    }) : () -> ()
    %barrier3A = arith.constant 0 : index
    tpu.barrier barrier_id(%barrier3A)
    %mul3A_3 = arith.constant 512 : i32
    %mul3A_4 = arith.muli %arg1, %mul3A_3 : i32
    "tpu.region"() ({
      %run_scoped3A = tpu.sem_alloc : memref<!tpu.dma_semaphore, #tpu.memory_space<semaphore_mem>>
      %dma_start3A = tpu.memref_slice %arg3[%mul3A_4] : memref<8192xi32, #tpu.memory_space<hbm>> -> memref<512xi32, #tpu.memory_space<hbm>>
      %dma_start3A_10 = tpu.memref_slice %arg3[%mul3A_4] : memref<8192xi32, #tpu.memory_space<hbm>> -> memref<512xi32, #tpu.memory_space<hbm>>
      tpu.enqueue_dma source(%dma_start3A_10 : memref<512xi32, #tpu.memory_space<hbm>>) target(%arg6 : memref<512xi32, #tpu.memory_space<vmem>>) target_semaphore(%run_scoped3A : memref<!tpu.dma_semaphore, #tpu.memory_space<semaphore_mem>>)
      %dma_wait3A = tpu.memref_slice %arg3[%mul3A_4] : memref<8192xi32, #tpu.memory_space<hbm>> -> memref<512xi32, #tpu.memory_space<hbm>>
      %dma_wait3A_11 = tpu.memref_slice %arg3[%mul3A_4] : memref<8192xi32, #tpu.memory_space<hbm>> -> memref<512xi32, #tpu.memory_space<hbm>>
      tpu.wait_dma2 semaphore(%run_scoped3A : memref<!tpu.dma_semaphore, #tpu.memory_space<semaphore_mem>>) src(%dma_wait3A_11 : memref<512xi32, #tpu.memory_space<hbm>>) dst(%arg6 : memref<512xi32, #tpu.memory_space<vmem>>)
      tpu.yield
    }) : () -> ()
    "tpu.region"() ({
      %run_scoped3A = tpu.sem_alloc : memref<!tpu.dma_semaphore, #tpu.memory_space<semaphore_mem>>
      %dma_start3A = arith.constant 0 : i32
      %dma_start3A_10 = tpu.memref_slice %arg4[%mul3A_4, %dma_start3A] : memref<8192x32xf32, #tpu.memory_space<hbm>> -> memref<512x32xf32, #tpu.memory_space<hbm>>
      %dma_start3A_11 = arith.constant 0 : i32
      %dma_start3A_12 = tpu.memref_slice %arg4[%mul3A_4, %dma_start3A_11] : memref<8192x32xf32, #tpu.memory_space<hbm>> -> memref<512x32xf32, #tpu.memory_space<hbm>>
      tpu.enqueue_dma source(%dma_start3A_12 : memref<512x32xf32, #tpu.memory_space<hbm>>) target(%arg7 : memref<512x32xf32, #tpu.memory_space<vmem>>) target_semaphore(%run_scoped3A : memref<!tpu.dma_semaphore, #tpu.memory_space<semaphore_mem>>)
      %dma_wait3A = arith.constant 0 : i32
      %dma_wait3A_13 = tpu.memref_slice %arg4[%mul3A_4, %dma_wait3A] : memref<8192x32xf32, #tpu.memory_space<hbm>> -> memref<512x32xf32, #tpu.memory_space<hbm>>
      %dma_wait3A_14 = arith.constant 0 : i32
      %dma_wait3A_15 = tpu.memref_slice %arg4[%mul3A_4, %dma_wait3A_14] : memref<8192x32xf32, #tpu.memory_space<hbm>> -> memref<512x32xf32, #tpu.memory_space<hbm>>
      tpu.wait_dma2 semaphore(%run_scoped3A : memref<!tpu.dma_semaphore, #tpu.memory_space<semaphore_mem>>) src(%dma_wait3A_15 : memref<512x32xf32, #tpu.memory_space<hbm>>) dst(%arg7 : memref<512x32xf32, #tpu.memory_space<vmem>>)
      tpu.yield
    }) : () -> ()
    "tpu.region"() ({
      %run_scoped3A = tpu.sem_alloc : memref<!tpu.dma_semaphore, #tpu.memory_space<semaphore_mem>>
      %dma_start3A = arith.constant 0 : i32
      %dma_start3A_10 = arith.constant 0 : i32
      %dma_start3A_11 = tpu.memref_slice %arg8[%dma_start3A, %dma_start3A_10] : memref<8192x32xf32, #tpu.memory_space<vmem_shared>> -> memref<8192x32xf32, #tpu.memory_space<vmem_shared>>
      tpu.enqueue_indirect_dma source(%arg7 : memref<512x32xf32, #tpu.memory_space<vmem>>) target(%dma_start3A_11 : memref<8192x32xf32, #tpu.memory_space<vmem_shared>>) offsets(%arg6 : memref<512xi32, #tpu.memory_space<vmem>>) semaphore(%run_scoped3A : memref<!tpu.dma_semaphore, #tpu.memory_space<semaphore_mem>>) {add = true}
      %dma_wait3A = arith.constant 0 : i32
      %dma_wait3A_12 = arith.constant 0 : i32
      %dma_wait3A_13 = tpu.memref_slice %arg8[%dma_wait3A, %dma_wait3A_12] : memref<8192x32xf32, #tpu.memory_space<vmem_shared>> -> memref<8192x32xf32, #tpu.memory_space<vmem_shared>>
      tpu.wait_indirect_dma semaphore(%run_scoped3A : memref<!tpu.dma_semaphore, #tpu.memory_space<semaphore_mem>>) src(%arg7 : memref<512x32xf32, #tpu.memory_space<vmem>>) dst(%dma_wait3A_13 : memref<8192x32xf32, #tpu.memory_space<vmem_shared>>)
      tpu.yield
    }) : () -> ()
    %barrier3A_5 = arith.constant 0 : index
    tpu.barrier barrier_id(%barrier3A_5)
    %mul3A_6 = arith.constant 4096 : i32
    %mul3A_7 = arith.muli %arg0, %mul3A_6 : i32
    %mul3A_8 = arith.constant 256 : i32
    %mul3A_9 = arith.muli %arg1, %mul3A_8 : i32
    %add3A = arith.addi %mul3A_7, %mul3A_9 : i32
    "tpu.region"() ({
      %run_scoped3A = tpu.sem_alloc : memref<!tpu.dma_semaphore, #tpu.memory_space<semaphore_mem>>
      %dma_start3A = arith.constant 0 : i32
      %dma_start3A_10 = tpu.memref_slice %arg5[%add3A, %dma_start3A] : memref<8192x32xf32, #tpu.memory_space<hbm>> -> memref<256x32xf32, #tpu.memory_space<hbm>>
      %dma_start3A_11 = arith.constant 0 : i32
      %dma_start3A_12 = tpu.memref_slice %arg8[%add3A, %dma_start3A_11] : memref<8192x32xf32, #tpu.memory_space<vmem_shared>> -> memref<256x32xf32, #tpu.memory_space<vmem_shared>>
      tpu.enqueue_dma source(%dma_start3A_12 : memref<256x32xf32, #tpu.memory_space<vmem_shared>>) target(%dma_start3A_10 : memref<256x32xf32, #tpu.memory_space<hbm>>) target_semaphore(%run_scoped3A : memref<!tpu.dma_semaphore, #tpu.memory_space<semaphore_mem>>)
      %dma_wait3A = arith.constant 0 : i32
      %dma_wait3A_13 = tpu.memref_slice %arg5[%add3A, %dma_wait3A] : memref<8192x32xf32, #tpu.memory_space<hbm>> -> memref<256x32xf32, #tpu.memory_space<hbm>>
      %dma_wait3A_14 = arith.constant 0 : i32
      %dma_wait3A_15 = tpu.memref_slice %arg8[%add3A, %dma_wait3A_14] : memref<8192x32xf32, #tpu.memory_space<vmem_shared>> -> memref<256x32xf32, #tpu.memory_space<vmem_shared>>
      tpu.wait_dma2 semaphore(%run_scoped3A : memref<!tpu.dma_semaphore, #tpu.memory_space<semaphore_mem>>) src(%dma_wait3A_15 : memref<256x32xf32, #tpu.memory_space<vmem_shared>>) dst(%dma_wait3A_13 : memref<256x32xf32, #tpu.memory_space<hbm>>)
      tpu.yield
    }) : () -> ()
    return
  }
}

module attributes {stable_mosaic.version = 14 : i64} {
  func.func @_proj_body(%arg0: i32, %arg1: memref<512x768xf32, #tpu.memory_space<vmem>>, %arg2: memref<768x32xf32, #tpu.memory_space<vmem>>, %arg3: memref<1x32xf32, #tpu.memory_space<vmem>>, %arg4: memref<512x32xf32, #tpu.memory_space<vmem>>) attributes {dimension_semantics = [#tpu.dimension_semantics<arbitrary>], iteration_bounds = array<i64: 16>, scalar_prefetch = 0 : i64, scratch_operands = 0 : i64, tpu.core_type = #tpu.core_type<tc>, window_params = [{transform_indices = @transform_0, window_bounds = array<i64: 512, 768>}, {pipeline_mode = #tpu.pipeline_mode<synchronous>, transform_indices = @transform_1, window_bounds = array<i64: 768, 32>}, {pipeline_mode = #tpu.pipeline_mode<synchronous>, transform_indices = @transform_2, window_bounds = array<i64: 1, 32>}, {transform_indices = @transform_3, window_bounds = array<i64: 512, 32>}]} {
    %get3A = arith.constant 0 : index
    %get3A_0 = arith.constant 0 : index
    %get3A_1 = vector.load %arg1[%get3A, %get3A_0] : memref<512x768xf32, #tpu.memory_space<vmem>>, vector<512x768xf32>
    %get3A_2 = arith.constant 0 : index
    %get3A_3 = arith.constant 0 : index
    %get3A_4 = vector.load %arg2[%get3A_2, %get3A_3] : memref<768x32xf32, #tpu.memory_space<vmem>>, vector<768x32xf32>
    %dot_general3A = arith.constant dense<0.000000e+00> : vector<512x32xf32>
    %dot_general3A_5 = tpu.matmul %get3A_1, %get3A_4, %dot_general3A {dimension_numbers = #tpu.dot_dimension_numbers<[1], [0], [0], [1], [0, 0, 1, 1], [], []>, transpose_lhs_hint = false} : vector<512x768xf32>, vector<768x32xf32>, vector<512x32xf32> -> vector<512x32xf32>
    %get3A_6 = arith.constant 0 : index
    %get3A_7 = arith.constant 0 : index
    %get3A_8 = vector.load %arg3[%get3A_6, %get3A_7] : memref<1x32xf32, #tpu.memory_space<vmem>>, vector<1x32xf32>
    %add3A = vector.broadcast %get3A_8 : vector<1x32xf32> to vector<512x32xf32>
    %add3A_9 = arith.addf %dot_general3A_5, %add3A : vector<512x32xf32>
    %swap3A = arith.constant 0 : index
    %swap3A_10 = arith.constant 0 : index
    %swap3A_11 = vector.load %arg4[%swap3A, %swap3A_10] : memref<512x32xf32, #tpu.memory_space<vmem>>, vector<512x32xf32>
    tpu.vector_store %arg4[%swap3A, %swap3A_10], %add3A_9 {strides = array<i32>} : memref<512x32xf32, #tpu.memory_space<vmem>>, vector<512x32xf32>,
    return
  }
  func.func @transform_0(%arg0: i32) -> (i32, i32) {
    %c0_i32 = arith.constant 0 : i32
    %c0_i32_0 = arith.constant 0 : i32
    return %arg0, %c0_i32 : i32, i32
  }
  func.func @transform_1(%arg0: i32) -> (i32, i32) {
    %c0_i32 = arith.constant 0 : i32
    %c0_i32_0 = arith.constant 0 : i32
    %c0_i32_1 = arith.constant 0 : i32
    return %c0_i32, %c0_i32_0 : i32, i32
  }
  func.func @transform_2(%arg0: i32) -> (i32, i32) {
    %c0_i32 = arith.constant 0 : i32
    %c0_i32_0 = arith.constant 0 : i32
    %c0_i32_1 = arith.constant 0 : i32
    return %c0_i32, %c0_i32_0 : i32, i32
  }
  func.func @transform_3(%arg0: i32) -> (i32, i32) {
    %c0_i32 = arith.constant 0 : i32
    %c0_i32_0 = arith.constant 0 : i32
    return %arg0, %c0_i32 : i32, i32
  }
}

module attributes {stable_mosaic.version = 14 : i64} {
  func.func @_argmin_body(%arg0: i32, %arg1: memref<512x32xf32, #tpu.memory_space<vmem>>, %arg2: memref<8192x32xf32, #tpu.memory_space<vmem>>, %arg3: memref<1x512xf32, #tpu.memory_space<vmem>>, %arg4: memref<8192x1xf32, #tpu.memory_space<vmem>>, %arg5: memref<1x1x512xi32, #tpu.memory_space<vmem>>) attributes {dimension_semantics = [#tpu.dimension_semantics<arbitrary>], iteration_bounds = array<i64: 16>, scalar_prefetch = 0 : i64, scratch_operands = 0 : i64, tpu.core_type = #tpu.core_type<tc>, window_params = [{transform_indices = @transform_0, window_bounds = array<i64: 512, 32>}, {pipeline_mode = #tpu.pipeline_mode<synchronous>, transform_indices = @transform_1, window_bounds = array<i64: 8192, 32>}, {transform_indices = @transform_2, window_bounds = array<i64: 1, 512>}, {pipeline_mode = #tpu.pipeline_mode<synchronous>, transform_indices = @transform_3, window_bounds = array<i64: 8192, 1>}, {transform_indices = @transform_4, window_bounds = array<i64: 1, 1, 512>}]} {
    %get3A = arith.constant 0 : index
    %get3A_0 = arith.constant 0 : index
    %get3A_1 = vector.load %arg1[%get3A, %get3A_0] : memref<512x32xf32, #tpu.memory_space<vmem>>, vector<512x32xf32>
    %get3A_2 = arith.constant 0 : index
    %get3A_3 = arith.constant 0 : index
    %get3A_4 = vector.load %arg3[%get3A_2, %get3A_3] : memref<1x512xf32, #tpu.memory_space<vmem>>, vector<1x512xf32>
    %iota3A = tpu.iota {dimensions = array<i32: 0>} : vector<2048x512xi32>
    %convert_element_type3A = arith.sitofp %iota3A : vector<2048x512xi32> to vector<2048x512xf32>
    %broadcast_in_dim3A = arith.constant 0x7F800000 : f32
    %broadcast_in_dim3A_5 = vector.broadcast %broadcast_in_dim3A : f32 to vector<1x512xf32>
    %broadcast_in_dim3A_6 = arith.constant 0 : i32
    %broadcast_in_dim3A_7 = vector.broadcast %broadcast_in_dim3A_6 : i32 to vector<1x512xi32>
    %scan3A = arith.constant 0 : i32
    %scan3A_8 = arith.constant 4 : i32
    %scan3A_9 = arith.addi %scan3A, %scan3A_8 : i32
    %scan3A_10 = arith.constant 1 : i32
    %scan3A_11:2 = scf.for %scan3A_16 = %scan3A to %scan3A_9 step %scan3A_10 iter_args(%scan3A_17 = %broadcast_in_dim3A_5, %scan3A_18 = %broadcast_in_dim3A_7) -> (vector<1x512xf32>, vector<1x512xi32>)  : i32 {
      %mul3A = arith.constant 2048 : i32
      %mul3A_19 = arith.muli %scan3A_16, %mul3A : i32
      %get3A_20 = arith.index_cast %mul3A_19 : i32 to index
      %get3A_21 = arith.constant 0 : index
      %get3A_22 = vector.load %arg2[%get3A_20, %get3A_21] : memref<8192x32xf32, #tpu.memory_space<vmem>>, vector<2048x32xf32>
      %mul3A_23 = arith.constant -2.000000e+00 : f32
      %mul3A_24 = vector.broadcast %mul3A_23 : f32 to vector<2048x32xf32>
      %mul3A_25 = arith.mulf %get3A_22, %mul3A_24 : vector<2048x32xf32>
      %mul3A_26 = arith.constant 2048 : i32
      %mul3A_27 = arith.muli %scan3A_16, %mul3A_26 : i32
      %get3A_28 = arith.index_cast %mul3A_27 : i32 to index
      %get3A_29 = arith.constant 0 : index
      %get3A_30 = vector.load %arg4[%get3A_28, %get3A_29] : memref<8192x1xf32, #tpu.memory_space<vmem>>, vector<2048x1xf32>
      %dot_general3A = arith.constant dense<0.000000e+00> : vector<2048x512xf32>
      %dot_general3A_31 = tpu.matmul %mul3A_25, %get3A_1, %dot_general3A {dimension_numbers = #tpu.dot_dimension_numbers<[1], [1], [0], [0], [0, 0, 1, 0], [], []>, transpose_lhs_hint = false} : vector<2048x32xf32>, vector<512x32xf32>, vector<2048x512xf32> -> vector<2048x512xf32>
      %add3A = vector.broadcast %get3A_4 : vector<1x512xf32> to vector<2048x512xf32>
      %add3A_32 = vector.broadcast %get3A_30 : vector<2048x1xf32> to vector<2048x512xf32>
      %add3A_33 = arith.addf %add3A, %add3A_32 : vector<2048x512xf32>
      %add3A_34 = arith.addf %add3A_33, %dot_general3A_31 : vector<2048x512xf32>
      %gt3A = arith.constant 0.000000e+00 : f32
      %gt3A_35 = vector.broadcast %gt3A : f32 to vector<2048x512xf32>
      %gt3A_36 = arith.cmpf ogt, %add3A_34, %gt3A_35 : vector<2048x512xf32>
      %rsqrt3A = math.rsqrt %add3A_34 : vector<2048x512xf32>
      %mul3A_37 = arith.mulf %add3A_34, %rsqrt3A : vector<2048x512xf32>
      %jit3A = arith.constant 0.000000e+00 : f32
      %broadcast_in_dim3A_38 = vector.broadcast %jit3A : f32 to vector<2048x512xf32>
      %select_n3A = arith.select %gt3A_36, %mul3A_37, %broadcast_in_dim3A_38 : vector<2048x512xi1>, vector<2048x512xf32>
      %reduce_min3A = arith.constant dense<0x7F800000> : vector<512xf32>
      %reduce_min3A_39 = vector.multi_reduction <minimumf>, %select_n3A, %reduce_min3A [0] : vector<2048x512xf32> to vector<512xf32>
      %broadcast_in_dim3A_40 = vector.shape_cast %reduce_min3A_39 : vector<512xf32> to vector<1x512xf32>
      %eq3A = vector.broadcast %broadcast_in_dim3A_40 : vector<1x512xf32> to vector<2048x512xf32>
      %eq3A_41 = arith.cmpf oeq, %select_n3A, %eq3A : vector<2048x512xf32>
      %jit3A_42 = arith.constant 0x4B800000 : f32
      %broadcast_in_dim3A_43 = vector.broadcast %jit3A_42 : f32 to vector<2048x512xf32>
      %select_n3A_44 = arith.select %eq3A_41, %convert_element_type3A, %broadcast_in_dim3A_43 : vector<2048x512xi1>, vector<2048x512xf32>
      %reduce_min3A_45 = arith.constant dense<0x7F800000> : vector<512xf32>
      %reduce_min3A_46 = vector.multi_reduction <minimumf>, %select_n3A_44, %reduce_min3A_45 [0] : vector<2048x512xf32> to vector<512xf32>
      %broadcast_in_dim3A_47 = vector.shape_cast %reduce_min3A_46 : vector<512xf32> to vector<1x512xf32>
      %convert_element_type3A_48 = arith.fptosi %broadcast_in_dim3A_47 : vector<1x512xf32> to vector<1x512xi32>
      %mul3A_49 = arith.constant 2048 : i32
      %mul3A_50 = arith.muli %scan3A_16, %mul3A_49 : i32
      %add3A_51 = vector.broadcast %mul3A_50 : i32 to vector<1x512xi32>
      %add3A_52 = arith.addi %convert_element_type3A_48, %add3A_51 : vector<1x512xi32>
      %lt3A = arith.cmpf olt, %broadcast_in_dim3A_40, %scan3A_17 : vector<1x512xf32>
      %select_n3A_53 = arith.select %lt3A, %broadcast_in_dim3A_40, %scan3A_17 : vector<1x512xi1>, vector<1x512xf32>
      %convert_element_type3A_54 = arith.truncf %select_n3A_53 : vector<1x512xf32> to vector<1x512xbf16>
      %convert_element_type3A_55 = arith.extf %convert_element_type3A_54 : vector<1x512xbf16> to vector<1x512xf32>
      %select_n3A_56 = arith.select %lt3A, %add3A_52, %scan3A_18 : vector<1x512xi1>, vector<1x512xi32>
      scf.yield %convert_element_type3A_55, %select_n3A_56 : vector<1x512xf32>, vector<1x512xi32>
    }
    %scan3A_12 = arith.constant 4 : i32
    %reshape3A = vector.shape_cast %scan3A_11#1 : vector<1x512xi32> to vector<1x1x512xi32>
    %swap3A = arith.constant 0 : index
    %swap3A_13 = arith.constant 0 : index
    %swap3A_14 = arith.constant 0 : index
    %swap3A_15 = vector.load %arg5[%swap3A, %swap3A_13, %swap3A_14] : memref<1x1x512xi32, #tpu.memory_space<vmem>>, vector<1x1x512xi32>
    tpu.vector_store %arg5[%swap3A, %swap3A_13, %swap3A_14], %reshape3A {strides = array<i32>} : memref<1x1x512xi32, #tpu.memory_space<vmem>>, vector<1x1x512xi32>,
    return
  }
  func.func @transform_0(%arg0: i32) -> (i32, i32) {
    %c0_i32 = arith.constant 0 : i32
    %c0_i32_0 = arith.constant 0 : i32
    return %arg0, %c0_i32 : i32, i32
  }
  func.func @transform_1(%arg0: i32) -> (i32, i32) {
    %c0_i32 = arith.constant 0 : i32
    %c0_i32_0 = arith.constant 0 : i32
    %c0_i32_1 = arith.constant 0 : i32
    return %c0_i32, %c0_i32_0 : i32, i32
  }
  func.func @transform_2(%arg0: i32) -> (i32, i32) {
    %c0_i32 = arith.constant 0 : i32
    %c0_i32_0 = arith.constant 0 : i32
    return %c0_i32, %arg0 : i32, i32
  }
  func.func @transform_3(%arg0: i32) -> (i32, i32) {
    %c0_i32 = arith.constant 0 : i32
    %c0_i32_0 = arith.constant 0 : i32
    %c0_i32_1 = arith.constant 0 : i32
    return %c0_i32, %c0_i32_0 : i32, i32
  }
  func.func @transform_4(%arg0: i32) -> (i32, i32, i32) {
    %c0_i32 = arith.constant 0 : i32
    %c0_i32_0 = arith.constant 0 : i32
    %c0_i32_1 = arith.constant 0 : i32
    return %arg0, %c0_i32, %c0_i32_0 : i32, i32, i32
  }
}

module attributes {stable_mosaic.version = 14 : i64} {
  func.func @_update_body(%arg0: i32, %arg1: memref<512x32xf32, #tpu.memory_space<vmem>>, %arg2: memref<512x32xf32, #tpu.memory_space<vmem>>, %arg3: memref<32x32xf32, #tpu.memory_space<vmem>>, %arg4: memref<1x32xf32, #tpu.memory_space<vmem>>, %arg5: memref<512x32xf32, #tpu.memory_space<vmem>>) attributes {dimension_semantics = [#tpu.dimension_semantics<arbitrary>], iteration_bounds = array<i64: 16>, scalar_prefetch = 0 : i64, scratch_operands = 0 : i64, tpu.core_type = #tpu.core_type<tc>, window_params = [{transform_indices = @transform_0, window_bounds = array<i64: 512, 32>}, {transform_indices = @transform_1, window_bounds = array<i64: 512, 32>}, {pipeline_mode = #tpu.pipeline_mode<synchronous>, transform_indices = @transform_2, window_bounds = array<i64: 32, 32>}, {pipeline_mode = #tpu.pipeline_mode<synchronous>, transform_indices = @transform_3, window_bounds = array<i64: 1, 32>}, {transform_indices = @transform_4, window_bounds = array<i64: 512, 32>}]} {
    %get3A = arith.constant 0 : index
    %get3A_0 = arith.constant 0 : index
    %get3A_1 = vector.load %arg1[%get3A, %get3A_0] : memref<512x32xf32, #tpu.memory_space<vmem>>, vector<512x32xf32>
    %get3A_2 = arith.constant 0 : index
    %get3A_3 = arith.constant 0 : index
    %get3A_4 = vector.load %arg2[%get3A_2, %get3A_3] : memref<512x32xf32, #tpu.memory_space<vmem>>, vector<512x32xf32>
    %sub3A = arith.subf %get3A_1, %get3A_4 : vector<512x32xf32>
    %get3A_5 = arith.constant 0 : index
    %get3A_6 = arith.constant 0 : index
    %get3A_7 = vector.load %arg3[%get3A_5, %get3A_6] : memref<32x32xf32, #tpu.memory_space<vmem>>, vector<32x32xf32>
    %dot_general3A = arith.constant dense<0.000000e+00> : vector<512x32xf32>
    %dot_general3A_8 = tpu.matmul %sub3A, %get3A_7, %dot_general3A {dimension_numbers = #tpu.dot_dimension_numbers<[1], [0], [0], [1], [0, 0, 1, 1], [], []>, transpose_lhs_hint = false} : vector<512x32xf32>, vector<32x32xf32>, vector<512x32xf32> -> vector<512x32xf32>
    %get3A_9 = arith.constant 0 : index
    %get3A_10 = arith.constant 0 : index
    %get3A_11 = vector.load %arg4[%get3A_9, %get3A_10] : memref<1x32xf32, #tpu.memory_space<vmem>>, vector<1x32xf32>
    %add3A = vector.broadcast %get3A_11 : vector<1x32xf32> to vector<512x32xf32>
    %add3A_12 = arith.addf %dot_general3A_8, %add3A : vector<512x32xf32>
    %mul3A = arith.constant 5.000000e-01 : f32
    %mul3A_13 = vector.broadcast %mul3A : f32 to vector<512x32xf32>
    %mul3A_14 = arith.mulf %add3A_12, %mul3A_13 : vector<512x32xf32>
    %swap3A = arith.constant 0 : index
    %swap3A_15 = arith.constant 0 : index
    %swap3A_16 = vector.load %arg5[%swap3A, %swap3A_15] : memref<512x32xf32, #tpu.memory_space<vmem>>, vector<512x32xf32>
    tpu.vector_store %arg5[%swap3A, %swap3A_15], %mul3A_14 {strides = array<i32>} : memref<512x32xf32, #tpu.memory_space<vmem>>, vector<512x32xf32>,
    return
  }
  func.func @transform_0(%arg0: i32) -> (i32, i32) {
    %c0_i32 = arith.constant 0 : i32
    %c0_i32_0 = arith.constant 0 : i32
    return %arg0, %c0_i32 : i32, i32
  }
  func.func @transform_1(%arg0: i32) -> (i32, i32) {
    %c0_i32 = arith.constant 0 : i32
    %c0_i32_0 = arith.constant 0 : i32
    return %arg0, %c0_i32 : i32, i32
  }
  func.func @transform_2(%arg0: i32) -> (i32, i32) {
    %c0_i32 = arith.constant 0 : i32
    %c0_i32_0 = arith.constant 0 : i32
    %c0_i32_1 = arith.constant 0 : i32
    return %c0_i32, %c0_i32_0 : i32, i32
  }
  func.func @transform_3(%arg0: i32) -> (i32, i32) {
    %c0_i32 = arith.constant 0 : i32
    %c0_i32_0 = arith.constant 0 : i32
    %c0_i32_1 = arith.constant 0 : i32
    return %c0_i32, %c0_i32_0 : i32, i32
  }
  func.func @transform_4(%arg0: i32) -> (i32, i32) {
    %c0_i32 = arith.constant 0 : i32
    %c0_i32_0 = arith.constant 0 : i32
    return %arg0, %c0_i32 : i32, i32
  }
}

</mosaic_0001>

<sc_bundles>
// kernel: kernel.10.cloned.1.call-start
scs
__scs_entry_jumppad:
0x0: {  	(pc) =	sbr.rel $0x88, $3  }
0x1: {  	(tag) =	ssettag $0x0;
	lr =	simm.s32 $0x1  }
0x2: {  	[smem:$0x3F9B] =	sst lr;
	_ =	strace $0xD0000000  }
0x3: {  	_ = 	snop  }
0x4: {  	_ = 	snop  }
0x5: {  	_ = 	snop  }
0x6: {  	_ = 	snop  }
0x7: {  	_ = 	snop  }
__scs_overlays_trampoline_lowered:
0x8: {  	[smem:$0x3FAA] =	sst s0  }
0x9: {  	[smem:$0x3FAB] =	sst s1  }
0xa: {  	[smem:$0x3FAC] =	sst s2  }
0xb: {  	[smem:$0x3FAD] =	sst s3  }
0xc: {  	[smem:$0x3FAE] =	sst s4  }
0xd: {  	[smem:$0x3FAF] =	sst s5  }
0xe: {  	[smem:$0x3FB0] =	sst s6  }
0xf: {  	[smem:$0x3FB1] =	sst s7  }
0x10: {  	[smem:$0x3FB2] =	sst s8  }
0x11: {  	[smem:$0x3FB3] =	sst s9;
	s0 =	simm.s32 @!p0 $0x0  }
0x12: {  	s1 =	sld [smem:$0x3F99];
	s0 =	simm.s32 @p0 $0x1  }
0x13: {  	[smem:$0x3FB4] =	sst s0;
	s0 =	simm.s32 @!p1 $0x0  }
0x14: {  	s2 =	sld [smem:$0x3F98];
	s0 =	simm.s32 @p1 $0x1  }
0x15: {  	[smem:$0x3FB5] =	sst s0;
	s0 =	simm.s32 @!p2 $0x0  }
0x16: {  	s3 =	sld [smem:$0x3FDB];
	s0 =	simm.s32 @p2 $0x1  }
0x17: {  	s4 =	simm.s32 $0x1BF5;
	[smem:$0x3FB7] =	sst s0  }
0x18: {  	s0 =	sld [smem:$0x3F9A];
	_ =	swait.ge [sflag:s4], $0x0  }
0x19: {  	s7 =	sld [smem:$0x3F9B]  }
0x1a: {  	s8 =	sadd.s32 $0xFFFFE003, lr  }
0x1b: {  	s9 =	sadd.s32 $0xFFFFFEF7, lr;
	s5 =	simm.s32 $0xFFFFFFFF;
	p2 =	slt.u32 s8, $0xFFFFF086  }
0x1c: {  	p1 =	slt.u32 s9, $0xF7A;
	s5 =	simm.s32 @!p2 $0x0  }
0x1d: {  	s5 =	simm.s32 @p1 $0x1;
	p0 =	seq.s32 s7, s2  }
0x1e: {  	s7 =	smul.u32 @!p0 $0xF7A, s2;
	p2 =	seq.s32 @!p0 s5, $0x0  }
0x1f: {  	s9 =	smul.u32 $0xF7A, s1;
	s8 =	simm.s32 @!p0 $0x1BF5;
	p2 =	por !p2, p0  }
0x20: {  	[sflag:s8] =	ssyncset.s32 @!p0 $0xFFFFF086;
	s6 =	sadd.s32 @!p0 s3, s7;
	s7 =	simm.s32 @!p0 $0x108  }
0x21: {  	s3 =	sadd.s32 s3, s9;
	s6 =	sadd.s32 @!p0 $0x88, s6;
	s7 =	simm.s32 @p2 $0x1082  }
0x22: {  	[simem:s7], [sflag:s8] =	dma.local @!p0 [hbm:s6], $0xF7A  }
0x23: {  	s9 =	sor.u32 $0xD0000000, s2;
	s6 =	simm.s32 $0x108;
	_ =	swait.ge @!p0 [sflag:s8], $0x0  }
0x24: {  	s3 =	sadd.s32 $0x88, s3;
	s6 =	simm.s32 @!p1 $0x1082;
	[sflag:s4] =	ssyncset.s32 $0xFFFFF086  }
0x25: {  	[simem:s6], [sflag:s4] =	dma.local [hbm:s3], $0xF7A  }
0x26: {  	[smem:$0x3F9B] =	sst s1;
	(tag) =	ssettag s2;
	_ =	strace s9  }
0x27: {  	s1 =	sld [smem:$0x3FAB]  }
0x28: {  	s2 =	sld [smem:$0x3FAC]  }
0x29: {  	s4 =	sld [smem:$0x3FAE]  }
0x2a: {  	p0 =	seq.s32 s5, $0x0;
	s5 =	sld [smem:$0x3FAF]  }
0x2b: {  	s6 =	sld [smem:$0x3FB0]  }
0x2c: {  	s7 =	sld [smem:$0x3FB1]  }
0x2d: {  	s3 =	simm.s32 $0x108;
	s8 =	sld [smem:$0x3FB2]  }
0x2e: {  	s3 =	simm.s32 @!p0 $0x1082;
	s9 =	sld [smem:$0x3FB3]  }
0x2f: {  	lr =	sadd.s32 s0, s3;
	s0 =	sld [smem:$0x3FAA]  }
0x30: {  	s3 =	sld [smem:$0x3FAD]  }
0x31: {  	[smem:$0x3FB6] =	sst s10  }
0x32: {  	s10 =	sld [smem:$0x3FB4];
	_ =	sdelay $0x3  }
0x33: {  	p0 =	seq.s32 s10, $0x1;
	s10 =	sld [smem:$0x3FB6];
	_ =	sdelay $0x3  }
0x34: {  	[smem:$0x3FB6] =	sst s10  }
0x35: {  	s10 =	sld [smem:$0x3FB5];
	_ =	sdelay $0x3  }
0x36: {  	p1 =	seq.s32 s10, $0x1;
	s10 =	sld [smem:$0x3FB6];
	_ =	sdelay $0x3  }
0x37: {  	[smem:$0x3FB6] =	sst s10  }
0x38: {  	s10 =	sld [smem:$0x3FB7]  }
0x39: {  	_ = 	snop;
	(pc) =	sbr.ind lr, $3  }
0x3a: {  	_ = 	snop  }
0x3b: {  	_ = 	snop  }
0x3c: {  	p2 =	seq.s32 s10, $0x1;
	s10 =	sld [smem:$0x3FB6]  }
0x3d: {  	_ =	shalt  }
0x3e: {  	_ =	shalt  }
0x3f: {  	_ =	shalt  }
0x40: {  	_ =	shalt  }
0x41: {  	_ =	shalt  }
0x42: {  	_ =	shalt  }
0x43: {  	_ =	shalt  }
0x44: {  	_ =	shalt  }
0x45: {  	_ =	shalt  }
0x46: {  	_ =	shalt  }
0x47: {  	_ =	shalt  }
0x48: {  	_ =	shalt  }
0x49: {  	_ =	shalt  }
0x4a: {  	_ =	shalt  }
0x4b: {  	_ =	shalt  }
0x4c: {  	_ =	shalt  }
0x4d: {  	_ =	shalt  }
0x4e: {  	_ =	shalt  }
0x4f: {  	_ =	shalt  }
0x50: {  	_ =	shalt  }
0x51: {  	_ =	shalt  }
0x52: {  	_ =	shalt  }
0x53: {  	_ =	shalt  }
0x54: {  	_ =	shalt  }
0x55: {  	_ =	shalt  }
0x56: {  	_ =	shalt  }
0x57: {  	_ =	shalt  }
0x58: {  	_ =	shalt  }
0x59: {  	_ =	shalt  }
0x5a: {  	_ =	shalt  }
0x5b: {  	_ =	shalt  }
0x5c: {  	_ =	shalt  }
0x5d: {  	_ =	shalt  }
0x5e: {  	_ =	shalt  }
0x5f: {  	_ =	shalt  }
0x60: {  	_ =	shalt  }
0x61: {  	_ =	shalt  }
0x62: {  	_ =	shalt  }
0x63: {  	_ =	shalt  }
0x64: {  	_ =	shalt  }
0x65: {  	_ =	shalt  }
0x66: {  	_ =	shalt  }
0x67: {  	_ =	shalt  }
0x68: {  	_ =	shalt  }
0x69: {  	_ =	shalt  }
0x6a: {  	_ =	shalt  }
0x6b: {  	_ =	shalt  }
0x6c: {  	_ =	shalt  }
0x6d: {  	_ =	shalt  }
0x6e: {  	_ =	shalt  }
0x6f: {  	_ =	shalt  }
0x70: {  	_ =	shalt  }
0x71: {  	_ =	shalt  }
0x72: {  	_ =	shalt  }
0x73: {  	_ =	shalt  }
0x74: {  	_ =	shalt  }
0x75: {  	_ =	shalt  }
0x76: {  	_ =	shalt  }
0x77: {  	_ =	shalt  }
0x78: {  	_ =	shalt  }
0x79: {  	_ =	shalt  }
0x7a: {  	_ =	shalt  }
0x7b: {  	_ =	shalt  }
0x7c: {  	_ =	shalt  }
0x7d: {  	_ =	shalt  }
0x7e: {  	_ =	shalt  }
0x7f: {  	_ =	shalt  }
0x80: {  	_ =	shalt  }
0x81: {  	_ =	shalt  }
0x82: {  	_ =	shalt  }
0x83: {  	_ =	shalt  }
0x84: {  	_ =	shalt  }
0x85: {  	_ =	shalt  }
0x86: {  	_ =	shalt  }
0x87: {  	_ =	shalt  }
.Lfunc_end0:
.L_simem_size_0:
called_computation.1_lowered:
.L_overlay_start_0:
0x88: {  	s2 =	sld [smem:$0x3FD9]  }
0x89: {  	s3 =	sld [smem:$0x3FFE];
	_ =	sdelay $0x1  }
0x8a: {  	s1 =	srdreg.scid  }
0x8b: {  	s0 =	sand.u32 $0x1, s1  }
0x8c: {  	s14 =	sshll.u32 s0, $0xA;
	s2 =	sadd.s32 s3, s2  }
0x8d: {  	s2 =	sadd.s32 s2, s14  }
0x8e: {  	[smem:$0x3FC2] =	sst s2  }
0x8f: {  	_ = 	snop  }
0x90: {  	s2 =	sld [smem:$0x3FD0];
	_ =	sdelay $0x2  }
0x91: {  	s15 =	simm.s32 $0xA;
	s4 =	simm.s32 $0x10  }
0x92: {  	[smem:s4], [sflag:s15] =	dma.local [hbm:s2], $0x1  }
0x93: {  	_ =	swait.eq [sflag:s15], $0x1  }
0x94: {  	[sflag:s15] =	ssyncset.done $0x0  }
0x95: {  	[sflag:s15] =	ssyncadd.s32 $0xFFFFFFFF  }
0x96: {  	s16 =	sld [smem:$0x11];
	(tm) =	ssettm $0x1  }
0x97: {  	s17 =	sld [smem:$0x3FFB];
	_ =	sdelay $0x3  }
0x98: {  	_ =	strace s17  }
0x99: {  	s3 =	sld [smem:$0x3FFC];
	_ =	sdelay $0x3  }
0x9a: {  	_ =	strace s3  }
0x9b: {  	s3 =	sld [smem:$0x3FFD];
	_ =	sdelay $0x3  }
0x9c: {  	_ =	strace s3  }
0x9d: {  	_ =	strace $0x8FFFFFFF  }
0x9e: {  	s18 =	sld [smem:$0x3FDB];
	_ =	sdelay $0x1  }
0x9f: {  	s19 =	simm.s32 $_scs_section_size  }
0xa0: {  	s5 =	simm.s32 $_size__tile_overlayer_lowered;
	s6 =	simm.s32 $_tile_overlayer_lowered  }
0xa1: {  	s22 =	simm.s32 $0x1BFF;
	s21 =	sshll.u32 s6, $0x1;
	s3 =	sadd.s32 s19, s18  }
0xa2: {  	s7 =	simm.s32 $0x0;
	s20 =	sshll.u32 s5, $0x1;
	s5 =	sadd.s32 s21, s3  }
0xa3: {  	[timem:s7], [sflag:s22] =	dma.local [hbm:s5], s20  }
0xa4: {  	_ =	swait.ge [sflag:s22], s20  }
0xa5: {  	s4 =	ssub.s32 $0x0, s20;
	[sflag:s22] =	ssyncset.done $0x0  }
0xa6: {  	[sflag:s22] =	ssyncadd.s32 s4;
	_ =	sdelay $0x1  }
0xa7: {  	s23 =	simm.s32 $0x1B8B  }
0xa8: {  	_ =	swait.ge [sflag:s23], $0x1  }
0xa9: {  	[sflag:s23] =	ssyncset.done $0x0  }
0xaa: {  	s25 =	simm.s32 $0x1B8E;
	s24 =	sld [smem:$0x3FFE];
	[sflag:s23] =	ssyncadd.s32 $0xFFFFFFFF  }
0xab: {  	s26 =	simm.s32 $execute0_lowered;
	[smem:$0x3FD2] =	sst s25  }
0xac: {  	s5 =	sshll.u32 s26, $0x1;
	_ =	strace $0x80000049;
	[dreg:$0x1] =	wrdreg $0xFFFFFFFF  }
0xad: {  	s28 =	simm.s32 $_size_execute0_lowered;
	s3 =	sadd.s32 s3, s5;
	[dreg:$0x0] =	wrdreg $0x0  }
0xae: {  	s5 =	sshll.u32 s28, $0x1;
	[dreg:$0x2] =	wrdreg s3  }
0xaf: {  	[dreg:$0x3] =	wrdreg s5  }
0xb0: {  	[dreg:$0x4] =	wrdreg $0xC0  }
0xb1: {  	_ =	task [dreg:s7], $0x5FFFF  }
0xb2: {  	[dreg:$0x1] =	wrdreg $0xFFFFFFFF  }
0xb3: {  	[dreg:$0x0] =	wrdreg $0x60  }
0xb4: {  	[dreg:$0x2] =	wrdreg s16  }
0xb5: {  	[dreg:$0x3] =	wrdreg s24  }
0xb6: {  	[dreg:$0x4] =	wrdreg $0x42000  }
0xb7: {  	[dreg:$0x5] =	wrdreg $0x9  }
0xb8: {  	_ =	task.clear_ibuf [dreg:s7], $0x6FFFF;
	_ =	strace $0x90000049  }
0xb9: {  	s29 =	simm.s32 $0x9;
	_ =	strace $0x8000004B  }
0xba: {  	_ =	swait.ge [sflag:s29], $0x1  }
0xbb: {  	[sflag:s29] =	ssyncadd.s32 $0xFFFFFFFF  }
0xbc: {  	_ =	strace $0x9000004B  }
0xbd: {  	_ =	sfence  }
0xbe: {  	s30 =	sld [smem:$0x0];
	_ =	sdelay $0x2  }
0xbf: {  	s31 =	sshll.u32 s1, $0xD;
	s1 =	sshrl.u32 s1, $0x2  }
0xc0: {  	s3 =	sand.u32 $0x4000, s31;
	s1 =	sadd.s32 s1, s30  }
0xc1: {  	s0 =	sor.u32 s3, s0;
	s1 =	sshll.u32 s1, $0x11  }
0xc2: {  	s0 =	sor.u32 s1, s0  }
0xc3: {  	s0 =	sadd.s32 $0x8F2B, s0  }
0xc4: {  	[sflag:s0] =	ssyncadd.remote.s32 $0x1  }
0xc5: {  	_ =	sfence.sel $0xFFFF  }
0xc6: {  	[dreg:$0x0] =	wrdreg $0xFFFFFFFF;
	(pc) =	sbr.abs _section_cstart, $3  }
0xc7: {  	[dreg:$0x1] =	wrdreg $0xFFFFFFFF  }
0xc8: {  	_ =	task.clear_ibuf [dreg:s7], $0x2FFFF;
	_ =	strace $0x9FFFFFFF  }
0xc9: {  	(tm) =	ssettm $0x7FFFFFFF  }
tec
execute0_lowered:
.L_overlay_start_1:
0x0: {  	(tag) =	ssettag $0x1  }
0x1: {  	s4 =	rddreg [dreg:$0x0]  }
0x2: {  	s11 =	rddreg [dreg:$0x1]  }
0x3: {  	s2 =	rddreg [dreg:$0x2]  }
0x4: {  	s0 =	rddreg [dreg:$0x3];
	s3 =	simm.s32 $0x0  }
0x5: {  	s1 =	stileid.u32;
	[smem:$0x7FF] =	sst s3  }
0x6: {  	s9 =	sshll.u32 s1, $0xB;
	s5 =	sshll.u32 s1, $0xE;
	s8 =	sshll.u32 s1, $0x6  }
0x7: {  	_ =	strace $0x8000004A;
	s6 =	sadd.s32 s5, s2;
	s4 =	sadd.s32 s4, s9  }
0x8: {  	s5 =	sor.u32 $0x1C01, s8;
	s7 =	sshrl.u32 s6, $0x3;
	s6 =	simm.s32 $0x1  }
0x9: {  	[spmem:s7], [sflag:s5] =	dma.local [hbm:s4], $0x800  }
0xa: {  	_ =	swait.ge [sflag:s6], $0x800  }
0xb: {  	[sflag:s6] =	ssyncset.done $0x0  }
0xc: {  	s8 =	sadd.s32 s8, s11;
	[sflag:s6] =	ssyncadd.s32 $0xFFFFF800  }
0xd: {  	s8 =	sadd.s32 $0x800, s8;
	[bflag:$0x0] =	sbarrier.arrive $0xFFFF  }
0xe: {  	[tilespmem:s3], [sflag:$0x1] =	stream.linear.gather [hbm4b:s8+s3], $0x200, $0x38;
	[tilespmem:$0x8200] =	vst v63  }
0xf: {  	s12 =	srdreg.scid;
	_ =	swait.ge [sflag:s6], $0x200  }
0x10: {  	s10 =	simm.s32 $0x200;
	s9 =	sadd.s32 s9, s11;
	[sflag:s6] =	ssyncset.done $0x0  }
0x11: {  	s12 =	sand.u32 $0x1, s12;
	s9 =	sadd.s32 $0xC00, s9;
	[sflag:s6] =	ssyncadd.s32 $0xFFFFFE00  }
0x12: {  	[tilespmem:s10], [sflag:$0x1] =	stream.linear.gather [hbm4b:s9+s3], $0x4000, $0x38;
	[tilespmem:$0x8200] =	vst v63  }
0x13: {  	s13 =	sshll.u32 s12, $0x11;
	s12 =	ssub.s32 $0x2, s12;
	_ =	swait.ge [sflag:s6], $0x4000  }
0x14: {  	s14 =	sshll.u32 s1, $0xD;
	s15 =	sshrl.u32 s12, $0x1;
	[sflag:s6] =	ssyncset.done $0x0  }
0x15: {  	s13 =	sor.u32 s14, s13;
	s12 =	ssub.s32 s12, s15;
	[sflag:s6] =	ssyncadd.s32 $0xFFFFC000  }
0x16: {  	[spmem:s2] =	stream.indirect.scatter.add.f32 [tilespmem:s10], [sflag:$0x1], $0x20, s3, s10, $0xb8;
	[tilespmem:$0x8200] =	vst v63  }
0x17: {  	s14 =	sshrl.u32 s13, $0x3;
	s31 =	smax.u32 s12, $0x1;
	_ =	swait.ge [sflag:s6], $0x4000  }
0x18: {  	s13 =	sadd.s32 s13, s2;
	p0 =	sne.s32 s31, $0x1;
	[sflag:s6] =	ssyncset.done $0x0  }
.Ltmp0:
0x19: {  	s11 =	sadd.s32 s14, s11;
	[sflag:s6] =	ssyncadd.s32 $0xFFFFC000;
	(pc) =	sbr.rel @!p0 .LBB2_2-.Ltmp0, $4  }
0x1a: {  	s12 =	sshrl.u32 s13, $0x3;
	s11 =	sadd.s32 $0x8C00, s11;
	[bflag:$0x0] =	sbarrier.arrive $0xFFFF  }
0x1b: {  	[hbm:s11], [sflag:s5] =	dma.local [spmem:s12], $0x400  }
0x1c: {  	_ =	swait.ge [sflag:s6], $0x400  }
0x1d: {  	s13 =	sadd.s32 $0xFFFFFFFF, s31;
	[sflag:s6] =	ssyncset.done $0x0  }
.LBB2_1:
0x1e: {  	p0 =	sne.s32 s13, $0x1;
	s13 =	sadd.s32 $0xFFFFFFFF, s13;
	[sflag:s6] =	ssyncadd.s32 $0xFFFFFC00  }
0x1f: {  	[spmem:s7], [sflag:s5] =	dma.local [hbm:s4], $0x800  }
0x20: {  	_ =	swait.ge [sflag:s6], $0x800  }
0x21: {  	[sflag:s6] =	ssyncset.done $0x0  }
0x22: {  	[sflag:s6] =	ssyncadd.s32 $0xFFFFF800  }
0x23: {  	[bflag:$0x0] =	sbarrier.arrive $0xFFFF  }
0x24: {  	[tilespmem:s3], [sflag:$0x1] =	stream.linear.gather [hbm4b:s8+s3], $0x200, $0x38;
	[tilespmem:$0x8200] =	vst v63  }
0x25: {  	_ =	swait.ge [sflag:s6], $0x200  }
0x26: {  	[sflag:s6] =	ssyncset.done $0x0  }
0x27: {  	[sflag:s6] =	ssyncadd.s32 $0xFFFFFE00  }
0x28: {  	[tilespmem:s10], [sflag:$0x1] =	stream.linear.gather [hbm4b:s9+s3], $0x4000, $0x38;
	[tilespmem:$0x8200] =	vst v63  }
0x29: {  	_ =	swait.ge [sflag:s6], $0x4000  }
0x2a: {  	[sflag:s6] =	ssyncset.done $0x0  }
0x2b: {  	[sflag:s6] =	ssyncadd.s32 $0xFFFFC000  }
0x2c: {  	[spmem:s2] =	stream.indirect.scatter.add.f32 [tilespmem:s10], [sflag:$0x1], $0x20, s3, s10, $0xb8;
	[tilespmem:$0x8200] =	vst v63  }
0x2d: {  	_ =	swait.ge [sflag:s6], $0x4000  }
0x2e: {  	[sflag:s6] =	ssyncset.done $0x0  }
.Ltmp1:
0x2f: {  	[sflag:s6] =	ssyncadd.s32 $0xFFFFC000;
	(pc) =	sbr.rel @p0 .LBB2_1-.Ltmp1, $4  }
0x30: {  	[bflag:$0x0] =	sbarrier.arrive $0xFFFF  }
0x31: {  	[hbm:s11], [sflag:s5] =	dma.local [spmem:s12], $0x400  }
0x32: {  	_ =	swait.ge [sflag:s6], $0x400  }
0x33: {  	[sflag:s6] =	ssyncset.done $0x0  }
.LBB2_2:
0x34: {  	[sflag:s6] =	ssyncadd.s32 $0xFFFFFC00  }
0x35: {  	_ =	sfence.sel $0x180000  }
0x36: {  	[bflag:$0x0] =	sbarrier.arrive $0xFFFF  }
0x37: {  	p0 =	sne.s32 s1, $0x0;
	_ =	strace $0x9000004A  }
0x38: {  	s0 =	sadd.s32 @!p0 $0x100000, s0;
	[bflag:$0x2] =	sbarrier.arrive $0xFFFF  }
0x39: {  	[sflag:s0] =	ssyncadd.tile.s32 @!p0 $0x1;
	_ =	shalt  }
.Lfunc_end2:
_tile_overlayer_lowered:
.L_overlay_start_2:
0x3a: {  	(tag) =	ssettag $0x2  }
0x3b: {  	s0 =	rddreg [dreg:$0x0];
	s2 =	stileid.u32  }
0x3c: {  	s1 =	rddreg [dreg:$0x1];
	p0 =	sne.s32 s2, $0x0  }
0x3d: {  	s3 =	rddreg [dreg:$0x2];
	[bflag:$0x3] =	sbarrier.arrive $0xFFFF;
	s2 =	simm.s32 @!p0 $0x1C01  }
0x3e: {  	[timem:s3], [sflag:s2] =	dma.local @!p0 [hbm:s0], s1  }
0x3f: {  	s0 =	simm.s32 @!p0 $0x1  }
0x40: {  	_ =	swait.ge @!p0 [sflag:s0], s1  }
0x41: {  	s1 =	ssub.s32 @!p0 $0x0, s1;
	[sflag:s0] =	ssyncset.done @!p0 $0x0  }
0x42: {  	[sflag:s0] =	ssyncadd.s32 @!p0 s1  }
0x43: {  	[bflag:$0x3] =	sbarrier.arrive $0xFFFF  }
0x44: {  	_ =	shalt  }

// kernel: kernel.7.cloned.1.call-start
scs
__scs_entry_jumppad:
0x0: {  	(pc) =	sbr.rel $0x88, $3  }
0x1: {  	(tag) =	ssettag $0x0;
	lr =	simm.s32 $0x1  }
0x2: {  	[smem:$0x3F9B] =	sst lr;
	_ =	strace $0xD0000000  }
0x3: {  	_ = 	snop  }
0x4: {  	_ = 	snop  }
0x5: {  	_ = 	snop  }
0x6: {  	_ = 	snop  }
0x7: {  	_ = 	snop  }
__scs_overlays_trampoline_lowered:
0x8: {  	[smem:$0x3FAA] =	sst s0  }
0x9: {  	[smem:$0x3FAB] =	sst s1  }
0xa: {  	[smem:$0x3FAC] =	sst s2  }
0xb: {  	[smem:$0x3FAD] =	sst s3  }
0xc: {  	[smem:$0x3FAE] =	sst s4  }
0xd: {  	[smem:$0x3FAF] =	sst s5  }
0xe: {  	[smem:$0x3FB0] =	sst s6  }
0xf: {  	[smem:$0x3FB1] =	sst s7  }
0x10: {  	[smem:$0x3FB2] =	sst s8  }
0x11: {  	[smem:$0x3FB3] =	sst s9;
	s0 =	simm.s32 @!p0 $0x0  }
0x12: {  	s1 =	sld [smem:$0x3F99];
	s0 =	simm.s32 @p0 $0x1  }
0x13: {  	[smem:$0x3FB4] =	sst s0;
	s0 =	simm.s32 @!p1 $0x0  }
0x14: {  	s2 =	sld [smem:$0x3F98];
	s0 =	simm.s32 @p1 $0x1  }
0x15: {  	[smem:$0x3FB5] =	sst s0;
	s0 =	simm.s32 @!p2 $0x0  }
0x16: {  	s3 =	sld [smem:$0x3FDB];
	s0 =	simm.s32 @p2 $0x1  }
0x17: {  	s4 =	simm.s32 $0x1BF5;
	[smem:$0x3FB7] =	sst s0  }
0x18: {  	s0 =	sld [smem:$0x3F9A];
	_ =	swait.ge [sflag:s4], $0x0  }
0x19: {  	s7 =	sld [smem:$0x3F9B]  }
0x1a: {  	s8 =	sadd.s32 $0xFFFFE003, lr  }
0x1b: {  	s9 =	sadd.s32 $0xFFFFFEF7, lr;
	s5 =	simm.s32 $0xFFFFFFFF;
	p2 =	slt.u32 s8, $0xFFFFF086  }
0x1c: {  	p1 =	slt.u32 s9, $0xF7A;
	s5 =	simm.s32 @!p2 $0x0  }
0x1d: {  	s5 =	simm.s32 @p1 $0x1;
	p0 =	seq.s32 s7, s2  }
0x1e: {  	s7 =	smul.u32 @!p0 $0xF7A, s2;
	p2 =	seq.s32 @!p0 s5, $0x0  }
0x1f: {  	s9 =	smul.u32 $0xF7A, s1;
	s8 =	simm.s32 @!p0 $0x1BF5;
	p2 =	por !p2, p0  }
0x20: {  	[sflag:s8] =	ssyncset.s32 @!p0 $0xFFFFF086;
	s6 =	sadd.s32 @!p0 s3, s7;
	s7 =	simm.s32 @!p0 $0x108  }
0x21: {  	s3 =	sadd.s32 s3, s9;
	s6 =	sadd.s32 @!p0 $0x88, s6;
	s7 =	simm.s32 @p2 $0x1082  }
0x22: {  	[simem:s7], [sflag:s8] =	dma.local @!p0 [hbm:s6], $0xF7A  }
0x23: {  	s9 =	sor.u32 $0xD0000000, s2;
	s6 =	simm.s32 $0x108;
	_ =	swait.ge @!p0 [sflag:s8], $0x0  }
0x24: {  	s3 =	sadd.s32 $0x88, s3;
	s6 =	simm.s32 @!p1 $0x1082;
	[sflag:s4] =	ssyncset.s32 $0xFFFFF086  }
0x25: {  	[simem:s6], [sflag:s4] =	dma.local [hbm:s3], $0xF7A  }
0x26: {  	[smem:$0x3F9B] =	sst s1;
	(tag) =	ssettag s2;
	_ =	strace s9  }
0x27: {  	s1 =	sld [smem:$0x3FAB]  }
0x28: {  	s2 =	sld [smem:$0x3FAC]  }
0x29: {  	s4 =	sld [smem:$0x3FAE]  }
0x2a: {  	p0 =	seq.s32 s5, $0x0;
	s5 =	sld [smem:$0x3FAF]  }
0x2b: {  	s6 =	sld [smem:$0x3FB0]  }
0x2c: {  	s7 =	sld [smem:$0x3FB1]  }
0x2d: {  	s3 =	simm.s32 $0x108;
	s8 =	sld [smem:$0x3FB2]  }
0x2e: {  	s3 =	simm.s32 @!p0 $0x1082;
	s9 =	sld [smem:$0x3FB3]  }
0x2f: {  	lr =	sadd.s32 s0, s3;
	s0 =	sld [smem:$0x3FAA]  }
0x30: {  	s3 =	sld [smem:$0x3FAD]  }
0x31: {  	[smem:$0x3FB6] =	sst s10  }
0x32: {  	s10 =	sld [smem:$0x3FB4];
	_ =	sdelay $0x3  }
0x33: {  	p0 =	seq.s32 s10, $0x1;
	s10 =	sld [smem:$0x3FB6];
	_ =	sdelay $0x3  }
0x34: {  	[smem:$0x3FB6] =	sst s10  }
0x35: {  	s10 =	sld [smem:$0x3FB5];
	_ =	sdelay $0x3  }
0x36: {  	p1 =	seq.s32 s10, $0x1;
	s10 =	sld [smem:$0x3FB6];
	_ =	sdelay $0x3  }
0x37: {  	[smem:$0x3FB6] =	sst s10  }
0x38: {  	s10 =	sld [smem:$0x3FB7]  }
0x39: {  	_ = 	snop;
	(pc) =	sbr.ind lr, $3  }
0x3a: {  	_ = 	snop  }
0x3b: {  	_ = 	snop  }
0x3c: {  	p2 =	seq.s32 s10, $0x1;
	s10 =	sld [smem:$0x3FB6]  }
0x3d: {  	_ =	shalt  }
0x3e: {  	_ =	shalt  }
0x3f: {  	_ =	shalt  }
0x40: {  	_ =	shalt  }
0x41: {  	_ =	shalt  }
0x42: {  	_ =	shalt  }
0x43: {  	_ =	shalt  }
0x44: {  	_ =	shalt  }
0x45: {  	_ =	shalt  }
0x46: {  	_ =	shalt  }
0x47: {  	_ =	shalt  }
0x48: {  	_ =	shalt  }
0x49: {  	_ =	shalt  }
0x4a: {  	_ =	shalt  }
0x4b: {  	_ =	shalt  }
0x4c: {  	_ =	shalt  }
0x4d: {  	_ =	shalt  }
0x4e: {  	_ =	shalt  }
0x4f: {  	_ =	shalt  }
0x50: {  	_ =	shalt  }
0x51: {  	_ =	shalt  }
0x52: {  	_ =	shalt  }
0x53: {  	_ =	shalt  }
0x54: {  	_ =	shalt  }
0x55: {  	_ =	shalt  }
0x56: {  	_ =	shalt  }
0x57: {  	_ =	shalt  }
0x58: {  	_ =	shalt  }
0x59: {  	_ =	shalt  }
0x5a: {  	_ =	shalt  }
0x5b: {  	_ =	shalt  }
0x5c: {  	_ =	shalt  }
0x5d: {  	_ =	shalt  }
0x5e: {  	_ =	shalt  }
0x5f: {  	_ =	shalt  }
0x60: {  	_ =	shalt  }
0x61: {  	_ =	shalt  }
0x62: {  	_ =	shalt  }
0x63: {  	_ =	shalt  }
0x64: {  	_ =	shalt  }
0x65: {  	_ =	shalt  }
0x66: {  	_ =	shalt  }
0x67: {  	_ =	shalt  }
0x68: {  	_ =	shalt  }
0x69: {  	_ =	shalt  }
0x6a: {  	_ =	shalt  }
0x6b: {  	_ =	shalt  }
0x6c: {  	_ =	shalt  }
0x6d: {  	_ =	shalt  }
0x6e: {  	_ =	shalt  }
0x6f: {  	_ =	shalt  }
0x70: {  	_ =	shalt  }
0x71: {  	_ =	shalt  }
0x72: {  	_ =	shalt  }
0x73: {  	_ =	shalt  }
0x74: {  	_ =	shalt  }
0x75: {  	_ =	shalt  }
0x76: {  	_ =	shalt  }
0x77: {  	_ =	shalt  }
0x78: {  	_ =	shalt  }
0x79: {  	_ =	shalt  }
0x7a: {  	_ =	shalt  }
0x7b: {  	_ =	shalt  }
0x7c: {  	_ =	shalt  }
0x7d: {  	_ =	shalt  }
0x7e: {  	_ =	shalt  }
0x7f: {  	_ =	shalt  }
0x80: {  	_ =	shalt  }
0x81: {  	_ =	shalt  }
0x82: {  	_ =	shalt  }
0x83: {  	_ =	shalt  }
0x84: {  	_ =	shalt  }
0x85: {  	_ =	shalt  }
0x86: {  	_ =	shalt  }
0x87: {  	_ =	shalt  }
.Lfunc_end0:
.L_simem_size_0:
called_computation_lowered:
.L_overlay_start_0:
0x88: {  	s2 =	sld [smem:$0x3FD9]  }
0x89: {  	s3 =	sld [smem:$0x3FFE];
	_ =	sdelay $0x1  }
0x8a: {  	s1 =	srdreg.scid  }
0x8b: {  	s0 =	sand.u32 $0x1, s1  }
0x8c: {  	s14 =	sshll.u32 s0, $0xA;
	s2 =	sadd.s32 s3, s2  }
0x8d: {  	s2 =	sadd.s32 s2, s14  }
0x8e: {  	[smem:$0x3FC2] =	sst s2  }
0x8f: {  	_ = 	snop  }
0x90: {  	s2 =	sld [smem:$0x3FD0];
	_ =	sdelay $0x2  }
0x91: {  	s15 =	simm.s32 $0xA;
	s4 =	simm.s32 $0x10  }
0x92: {  	[smem:s4], [sflag:s15] =	dma.local [hbm:s2], $0x1  }
0x93: {  	_ =	swait.eq [sflag:s15], $0x1  }
0x94: {  	[sflag:s15] =	ssyncset.done $0x0  }
0x95: {  	s16 =	sld [smem:$0x10];
	[sflag:s15] =	ssyncadd.s32 $0xFFFFFFFF  }
0x96: {  	s17 =	sld [smem:$0x11];
	(tm) =	ssettm $0x1  }
0x97: {  	s18 =	sld [smem:$0x3FFB];
	_ =	sdelay $0x3  }
0x98: {  	_ =	strace s18  }
0x99: {  	s4 =	sld [smem:$0x3FFC];
	_ =	sdelay $0x3  }
0x9a: {  	_ =	strace s4  }
0x9b: {  	s4 =	sld [smem:$0x3FFD];
	_ =	sdelay $0x3  }
0x9c: {  	_ =	strace s4  }
0x9d: {  	_ =	strace $0x8FFFFFFF  }
0x9e: {  	s19 =	sld [smem:$0x3FDB];
	_ =	sdelay $0x1  }
0x9f: {  	s5 =	simm.s32 $_scs_section_size  }
0xa0: {  	s6 =	simm.s32 $_size__tile_overlayer_lowered;
	s7 =	simm.s32 $_tile_overlayer_lowered  }
0xa1: {  	s22 =	simm.s32 $0x1BFF;
	s21 =	sshll.u32 s7, $0x1;
	s4 =	sadd.s32 s5, s19  }
0xa2: {  	s8 =	simm.s32 $0x0;
	s20 =	sshll.u32 s6, $0x1;
	s6 =	sadd.s32 s21, s4  }
0xa3: {  	[timem:s8], [sflag:s22] =	dma.local [hbm:s6], s20  }
0xa4: {  	_ =	swait.ge [sflag:s22], s20  }
0xa5: {  	s5 =	ssub.s32 $0x0, s20;
	[sflag:s22] =	ssyncset.done $0x0  }
0xa6: {  	[sflag:s22] =	ssyncadd.s32 s5;
	_ =	sdelay $0x1  }
0xa7: {  	s23 =	simm.s32 $0x1B8B  }
0xa8: {  	_ =	swait.ge [sflag:s23], $0x1  }
0xa9: {  	[sflag:s23] =	ssyncset.done $0x0  }
0xaa: {  	s25 =	simm.s32 $0x1B8E;
	s24 =	sld [smem:$0x3FFE];
	[sflag:s23] =	ssyncadd.s32 $0xFFFFFFFF  }
0xab: {  	s26 =	simm.s32 $execute0_lowered;
	[smem:$0x3FD2] =	sst s25  }
0xac: {  	s6 =	sshll.u32 s26, $0x1;
	_ =	strace $0x80000046;
	[dreg:$0x1] =	wrdreg $0xFFFFFFFF  }
0xad: {  	s28 =	simm.s32 $_size_execute0_lowered;
	s4 =	sadd.s32 s4, s6;
	[dreg:$0x0] =	wrdreg $0x0  }
0xae: {  	s6 =	sshll.u32 s28, $0x1;
	[dreg:$0x2] =	wrdreg s4  }
0xaf: {  	[dreg:$0x3] =	wrdreg s6  }
0xb0: {  	[dreg:$0x4] =	wrdreg $0xC0  }
0xb1: {  	_ =	task [dreg:s8], $0x5FFFF  }
0xb2: {  	[dreg:$0x1] =	wrdreg $0xFFFFFFFF  }
0xb3: {  	[dreg:$0x0] =	wrdreg $0x60  }
0xb4: {  	[dreg:$0x2] =	wrdreg s17  }
0xb5: {  	[dreg:$0x3] =	wrdreg s24  }
0xb6: {  	[dreg:$0x4] =	wrdreg s16  }
0xb7: {  	[dreg:$0x5] =	wrdreg $0x9  }
0xb8: {  	_ =	task.clear_ibuf [dreg:s8], $0x6FFFF;
	_ =	strace $0x90000046  }
0xb9: {  	s29 =	simm.s32 $0x9;
	_ =	strace $0x80000048  }
0xba: {  	_ =	swait.ge [sflag:s29], $0x1  }
0xbb: {  	[sflag:s29] =	ssyncadd.s32 $0xFFFFFFFF  }
0xbc: {  	_ =	strace $0x90000048  }
0xbd: {  	_ =	sfence  }
0xbe: {  	s30 =	sld [smem:$0x0];
	_ =	sdelay $0x2  }
0xbf: {  	s31 =	sshll.u32 s1, $0xD;
	s1 =	sshrl.u32 s1, $0x2  }
0xc0: {  	s3 =	sand.u32 $0x4000, s31;
	s1 =	sadd.s32 s1, s30  }
0xc1: {  	s0 =	sor.u32 s3, s0;
	s1 =	sshll.u32 s1, $0x11  }
0xc2: {  	s0 =	sor.u32 s1, s0  }
0xc3: {  	s0 =	sadd.s32 $0x8F2B, s0  }
0xc4: {  	[sflag:s0] =	ssyncadd.remote.s32 $0x1  }
0xc5: {  	_ =	sfence.sel $0xFFFF  }
0xc6: {  	[dreg:$0x0] =	wrdreg $0xFFFFFFFF;
	(pc) =	sbr.abs _section_cstart, $3  }
0xc7: {  	[dreg:$0x1] =	wrdreg $0xFFFFFFFF  }
0xc8: {  	_ =	task.clear_ibuf [dreg:s8], $0x2FFFF;
	_ =	strace $0x9FFFFFFF  }
0xc9: {  	(tm) =	ssettm $0x7FFFFFFF  }
tec
execute0_lowered:
.L_overlay_start_1:
0x0: {  	(tag) =	ssettag $0x1  }
0x1: {  	s2 =	srdreg.scid  }
0x2: {  	s1 =	rddreg [dreg:$0x0];
	s0 =	stileid.u32;
	s6 =	sand.u32 $0x1, s2  }
0x3: {  	s4 =	rddreg [dreg:$0x1];
	s30 =	sshll.u32 s0, $0x9;
	s3 =	sshll.u32 s6, $0x8  }
0x4: {  	s8 =	rddreg [dreg:$0x2];
	s9 =	sor.u32 s3, s30  }
0x5: {  	s2 =	rddreg [dreg:$0x3];
	s3 =	simm.s32 $0x0;
	s5 =	sshrl.u32 s9, $0x3  }
0x6: {  	s10 =	ssub.s32 $0x2, s6;
	[smem:$0x7FF] =	sst s3;
	s4 =	sadd.s32 s5, s4  }
0x7: {  	_ =	strace $0x80000047;
	s5 =	sadd.s32 $0x800, s4;
	s4 =	simm.s32 $0x2  }
0x8: {  	[tilespmem:s3], [sflag:$0x2] =	stream.linear.gather [hbm4b:s5+s3], $0x100, $0x38;
	[tilespmem:$0x2100] =	vst v63  }
0x9: {  	s11 =	sshrl.u32 s10, $0x1;
	_ =	swait.ge [sflag:s4], $0x100  }
0xa: {  	s7 =	simm.s32 $0x1;
	s10 =	ssub.s32 s10, s11;
	[sflag:s4] =	ssyncset.done $0x0  }
0xb: {  	s6 =	simm.s32 $0x100;
	s31 =	smax.u32 s10, $0x1;
	[sflag:s4] =	ssyncadd.s32 $0xFFFFFF00  }
0xc: {  	[tilespmem:s6], [sflag:$0x1] =	stream.indirect.gather [hbm4b:s1+s6], $0x20, s3, s6, $0xb8;
	[tilespmem:$0x2100] =	vst v63  }
0xd: {  	p0 =	sne.s32 s31, $0x1;
	_ =	swait.ge [sflag:s7], $0x2000  }
.Ltmp0:
0xe: {  	s9 =	sshll.u32 s9, $0x2;
	[sflag:s7] =	ssyncset.done $0x0;
	(pc) =	sbr.rel @!p0 .LBB2_2-.Ltmp0, $4  }
0xf: {  	s8 =	sadd.s32 s8, s9;
	[sflag:s7] =	ssyncadd.s32 $0xFFFFE000  }
0x10: {  	[hbm4b:s8+s3] =	stream.linear.scatter [tilespmem:s6], [sflag:$0x2], $0x2000, $0x38;
	[tilespmem:$0x2100] =	vst v63  }
0x11: {  	_ =	swait.ge [sflag:s4], $0x2000  }
0x12: {  	s9 =	sadd.s32 $0xFFFFFFFF, s31;
	[sflag:s4] =	ssyncset.done $0x0  }
.LBB2_1:
0x13: {  	p0 =	sne.s32 s9, $0x1;
	s9 =	sadd.s32 $0xFFFFFFFF, s9;
	[sflag:s4] =	ssyncadd.s32 $0xFFFFE000  }
0x14: {  	[tilespmem:s3], [sflag:$0x2] =	stream.linear.gather [hbm4b:s5+s3], $0x100, $0x38;
	[tilespmem:$0x2100] =	vst v63  }
0x15: {  	_ =	swait.ge [sflag:s4], $0x100  }
0x16: {  	[sflag:s4] =	ssyncset.done $0x0  }
0x17: {  	[sflag:s4] =	ssyncadd.s32 $0xFFFFFF00  }
0x18: {  	[tilespmem:s6], [sflag:$0x1] =	stream.indirect.gather [hbm4b:s1+s6], $0x20, s3, s6, $0xb8;
	[tilespmem:$0x2100] =	vst v63  }
0x19: {  	_ =	swait.ge [sflag:s7], $0x2000  }
.Ltmp1:
0x1a: {  	[sflag:s7] =	ssyncset.done $0x0;
	(pc) =	sbr.rel @p0 .LBB2_1-.Ltmp1, $4  }
0x1b: {  	[sflag:s7] =	ssyncadd.s32 $0xFFFFE000  }
0x1c: {  	[hbm4b:s8+s3] =	stream.linear.scatter [tilespmem:s6], [sflag:$0x2], $0x2000, $0x38;
	[tilespmem:$0x2100] =	vst v63  }
0x1d: {  	_ =	swait.ge [sflag:s4], $0x2000  }
0x1e: {  	[sflag:s4] =	ssyncset.done $0x0  }
.LBB2_2:
0x1f: {  	[sflag:s4] =	ssyncadd.s32 $0xFFFFE000  }
0x20: {  	_ =	sfence.sel $0x180000  }
0x21: {  	[bflag:$0x0] =	sbarrier.arrive $0xFFFF  }
0x22: {  	p0 =	sne.s32 s0, $0x0;
	_ =	strace $0x90000047  }
0x23: {  	s0 =	sadd.s32 @!p0 $0x100000, s2;
	[bflag:$0x2] =	sbarrier.arrive $0xFFFF  }
0x24: {  	[sflag:s0] =	ssyncadd.tile.s32 @!p0 $0x1;
	_ =	shalt  }
.Lfunc_end2:
_tile_overlayer_lowered:
.L_overlay_start_2:
0x25: {  	(tag) =	ssettag $0x2  }
0x26: {  	s0 =	rddreg [dreg:$0x0];
	s2 =	stileid.u32  }
0x27: {  	s1 =	rddreg [dreg:$0x1];
	p0 =	sne.s32 s2, $0x0  }
0x28: {  	s3 =	rddreg [dreg:$0x2];
	[bflag:$0x3] =	sbarrier.arrive $0xFFFF;
	s2 =	simm.s32 @!p0 $0x1C02  }
0x29: {  	[timem:s3], [sflag:s2] =	dma.local @!p0 [hbm:s0], s1  }
0x2a: {  	s0 =	simm.s32 @!p0 $0x2  }
0x2b: {  	_ =	swait.ge @!p0 [sflag:s0], s1  }
0x2c: {  	s1 =	ssub.s32 @!p0 $0x0, s1;
	[sflag:s0] =	ssyncset.done @!p0 $0x0  }
0x2d: {  	[sflag:s0] =	ssyncadd.s32 @!p0 s1  }
0x2e: {  	[bflag:$0x3] =	sbarrier.arrive $0xFFFF  }
0x2f: {  	_ =	shalt  }

</sc_bundles>
